<compile_context>
chip_gen: v7x
topology: tpu7x:2x2x1
jax: 0.10.2.dev20260603
libtpu: 0.0.44.dev20260713+nightly
codegen_flags: <defaults>
</compile_context>

<pallas_src>
import jax
import jax.numpy as jnp
from jax import lax
from jax.experimental import pallas as pl
from jax.experimental.pallas import tpu as pltpu
from jax.experimental.pallas import tpu_sc as plsc
from jax._src.pallas import mpmd
from jax._src.pallas import core as pallas_core
from jax._src.pallas.mosaic import core as tpu_core

_L = 16
_B = 16
_S = 2048
_D = 1024

_vec_mesh = plsc.VectorSubcoreMesh(core_axis_name="c", subcore_axis_name="s",
                                   num_cores=1)
_scs_mesh = plsc.ScalarSubcoreMesh(axis_name="c", num_cores=1)

_TEC_VMEM = pallas_core.CoreMemorySpace(tpu_core.MemorySpace.VMEM, _vec_mesh)


def _scs_fn(seq_hbm, mask_hbm, out_hbm, mask_sh, scs_sem, done, mask_v,
            row_v):
    pltpu.async_copy(mask_hbm, mask_sh, scs_sem).wait()
    for t in range(_B):
        pl.semaphore_signal(done, 1, device_id={"s": t})


def _tec_fn(seq_hbm, mask_hbm, out_hbm, mask_sh, scs_sem, done, mask_v,
            row_v):
    b = lax.axis_index("s")
    pl.semaphore_wait(done, 1)
    pltpu.sync_copy(mask_sh.at[b], mask_v.at[pl.ds(0, _S)])

    def _sum_step(i, acc):
        return acc + mask_v[pl.ds(i * _L, _L)]

    acc = lax.fori_loop(0, _S // _L, _sum_step,
                        jnp.zeros((_L,), jnp.int32), unroll=8)
    total = acc[0]
    for lane in range(1, _L):
        total = total + acc[lane]
    idx = jnp.maximum(total - 1, 0)
    mv = mask_v[pl.ds(idx, _L)][0]

    @pl.when(mv != 0)
    def _copy_row():
        pltpu.sync_copy(seq_hbm.at[b, idx], row_v)

    @pl.when(mv == 0)
    def _zero_row():
        z = jnp.zeros((_L,), jnp.float32)

        def _z_step(i, c):
            row_v[pl.ds(i * _L, _L)] = z
            return c

        lax.fori_loop(0, _D // _L, _z_step, 0, unroll=4)

    pltpu.sync_copy(row_v, out_hbm.at[b])


@jax.jit
def kernel(sequence, mask):
    fn = mpmd.mpmd_map(
        [(_scs_mesh, _scs_fn), (_vec_mesh, _tec_fn)],
        out_types=jax.ShapeDtypeStruct((_B, _D), jnp.float32),
        scratch_types=[
            pltpu.MemorySpace.VMEM_SHARED((_B, _S), jnp.int32),
            pltpu.SemaphoreType.DMA @ _scs_mesh,
            pltpu.SemaphoreType.REGULAR @ _vec_mesh,
            _TEC_VMEM((_S + _L,), jnp.int32),
            _TEC_VMEM((_D,), jnp.float32),
        ],
    )
    return fn(sequence, mask)

# --- scband reference (transcript-rebuilt; emitter-appended) ---
"""Pipeline reference for scband-safe-mask-processor-45887430591202 (READ-ONLY COPY).

The authoritative reference and input builder live on the scoring server;
editing this copy changes nothing except your own understanding.
"""

import jax, jax.numpy as jnp
import numpy as np


def setup_inputs(seed: int = 0) -> dict:
    key = jax.random.key(seed)
    k1, k2 = jax.random.split(key)
    sequence = jax.random.normal(k1, (16, 2048, 1024), dtype=jnp.float32)
    mask = jax.random.randint(k2, (16, 2048), 0, 2, dtype=jnp.int32)
    return {"sequence": sequence, "mask": mask}


def reference(sequence, mask):
    # apply_mask: cast mask to sequence dtype, broadcast over feature dim if 3D
    m = mask.astype(sequence.dtype)
    if sequence.ndim == 3:
        m_b = m[..., None]
    else:
        m_b = m
    masked = sequence * m_b

    # get_last_valid: index of last valid position per row (sum of mask - 1, clamped at 0)
    batch_size = masked.shape[0]
    seq_lengths = m.sum(axis=1).astype(jnp.int32) - 1
    seq_lengths = jnp.clip(seq_lengths, 0, None)
    batch_indices = jnp.arange(batch_size)
    last_valid = masked[batch_indices, seq_lengths]
    valid_mask = (mask != 0).any(axis=1)
    result = jnp.where(valid_mask[:, None], last_valid, jnp.zeros_like(last_valid))
    return result

if __name__ == "__main__":
    import jax
    _d = setup_inputs()
    print(jax.jit(kernel)(*tuple(_d.values())))

</pallas_src>

<mosaic_0001>
#map = affine_map<(d0) -> (0, 0, 0)>
#map1 = affine_map<(d0) -> (0, 0)>
#map2 = affine_map<(d0, d1) -> (0, 0, 0)>
#map3 = affine_map<(d0, d1) -> (0, 0)>
module attributes {stable_mosaic.version = 14 : i64} {
  func.func @_scs_fn(%arg0: i32, %arg1: memref<16x2048x1024xf32, #tpu.memory_space<hbm>>, %arg2: memref<16x2048xi32, #tpu.memory_space<hbm>>, %arg3: memref<16x1024xf32, #tpu.memory_space<hbm>>, %arg4: memref<16x2048xi32, #tpu.memory_space<vmem_shared>>, %arg5: memref<!tpu.dma_semaphore, #tpu.memory_space<semaphore_mem>>, %arg6: memref<!tpu.semaphore, #tpu.memory_space<semaphore_mem, sc_vector_subcore>>, %arg7: memref<2064xi32, #tpu.memory_space<vmem, sc_vector_subcore>>, %arg8: memref<1024xf32, #tpu.memory_space<vmem, sc_vector_subcore>>) attributes {dimension_semantics = [#tpu.dimension_semantics<core_parallel>], iteration_bounds = array<i64: 1>, scalar_prefetch = 0 : i64, scratch_operands = 5 : i64, tpu.core_type = #tpu.core_type<sc_scalar_subcore>, window_params = [{transform_indices = #map}, {transform_indices = #map1}, {transform_indices = #map1}]} {
    tpu.enqueue_dma source(%arg2 : memref<16x2048xi32, #tpu.memory_space<hbm>>) target(%arg4 : memref<16x2048xi32, #tpu.memory_space<vmem_shared>>) target_semaphore(%arg5 : memref<!tpu.dma_semaphore, #tpu.memory_space<semaphore_mem>>)
    tpu.wait_dma2 semaphore(%arg5 : memref<!tpu.dma_semaphore, #tpu.memory_space<semaphore_mem>>) src(%arg2 : memref<16x2048xi32, #tpu.memory_space<hbm>>) dst(%arg4 : memref<16x2048xi32, #tpu.memory_space<vmem_shared>>)
    %semaphore_signal3A = arith.constant 1 : i32
    %semaphore_signal3A_0 = arith.constant 0 : i32
    tpu.sem_signal %arg6, %semaphore_signal3A core_id %arg0 subcore_id %semaphore_signal3A_0 : memref<!tpu.semaphore, #tpu.memory_space<semaphore_mem, sc_vector_subcore>>
    %semaphore_signal3A_1 = arith.constant 1 : i32
    %semaphore_signal3A_2 = arith.constant 1 : i32
    tpu.sem_signal %arg6, %semaphore_signal3A_1 core_id %arg0 subcore_id %semaphore_signal3A_2 : memref<!tpu.semaphore, #tpu.memory_space<semaphore_mem, sc_vector_subcore>>
    %semaphore_signal3A_3 = arith.constant 1 : i32
    %semaphore_signal3A_4 = arith.constant 2 : i32
    tpu.sem_signal %arg6, %semaphore_signal3A_3 core_id %arg0 subcore_id %semaphore_signal3A_4 : memref<!tpu.semaphore, #tpu.memory_space<semaphore_mem, sc_vector_subcore>>
    %semaphore_signal3A_5 = arith.constant 1 : i32
    %semaphore_signal3A_6 = arith.constant 3 : i32
    tpu.sem_signal %arg6, %semaphore_signal3A_5 core_id %arg0 subcore_id %semaphore_signal3A_6 : memref<!tpu.semaphore, #tpu.memory_space<semaphore_mem, sc_vector_subcore>>
    %semaphore_signal3A_7 = arith.constant 1 : i32
    %semaphore_signal3A_8 = arith.constant 4 : i32
    tpu.sem_signal %arg6, %semaphore_signal3A_7 core_id %arg0 subcore_id %semaphore_signal3A_8 : memref<!tpu.semaphore, #tpu.memory_space<semaphore_mem, sc_vector_subcore>>
    %semaphore_signal3A_9 = arith.constant 1 : i32
    %semaphore_signal3A_10 = arith.constant 5 : i32
    tpu.sem_signal %arg6, %semaphore_signal3A_9 core_id %arg0 subcore_id %semaphore_signal3A_10 : memref<!tpu.semaphore, #tpu.memory_space<semaphore_mem, sc_vector_subcore>>
    %semaphore_signal3A_11 = arith.constant 1 : i32
    %semaphore_signal3A_12 = arith.constant 6 : i32
    tpu.sem_signal %arg6, %semaphore_signal3A_11 core_id %arg0 subcore_id %semaphore_signal3A_12 : memref<!tpu.semaphore, #tpu.memory_space<semaphore_mem, sc_vector_subcore>>
    %semaphore_signal3A_13 = arith.constant 1 : i32
    %semaphore_signal3A_14 = arith.constant 7 : i32
    tpu.sem_signal %arg6, %semaphore_signal3A_13 core_id %arg0 subcore_id %semaphore_signal3A_14 : memref<!tpu.semaphore, #tpu.memory_space<semaphore_mem, sc_vector_subcore>>
    %semaphore_signal3A_15 = arith.constant 1 : i32
    %semaphore_signal3A_16 = arith.constant 8 : i32
    tpu.sem_signal %arg6, %semaphore_signal3A_15 core_id %arg0 subcore_id %semaphore_signal3A_16 : memref<!tpu.semaphore, #tpu.memory_space<semaphore_mem, sc_vector_subcore>>
    %semaphore_signal3A_17 = arith.constant 1 : i32
    %semaphore_signal3A_18 = arith.constant 9 : i32
    tpu.sem_signal %arg6, %semaphore_signal3A_17 core_id %arg0 subcore_id %semaphore_signal3A_18 : memref<!tpu.semaphore, #tpu.memory_space<semaphore_mem, sc_vector_subcore>>
    %semaphore_signal3A_19 = arith.constant 1 : i32
    %semaphore_signal3A_20 = arith.constant 10 : i32
    tpu.sem_signal %arg6, %semaphore_signal3A_19 core_id %arg0 subcore_id %semaphore_signal3A_20 : memref<!tpu.semaphore, #tpu.memory_space<semaphore_mem, sc_vector_subcore>>
    %semaphore_signal3A_21 = arith.constant 1 : i32
    %semaphore_signal3A_22 = arith.constant 11 : i32
    tpu.sem_signal %arg6, %semaphore_signal3A_21 core_id %arg0 subcore_id %semaphore_signal3A_22 : memref<!tpu.semaphore, #tpu.memory_space<semaphore_mem, sc_vector_subcore>>
    %semaphore_signal3A_23 = arith.constant 1 : i32
    %semaphore_signal3A_24 = arith.constant 12 : i32
    tpu.sem_signal %arg6, %semaphore_signal3A_23 core_id %arg0 subcore_id %semaphore_signal3A_24 : memref<!tpu.semaphore, #tpu.memory_space<semaphore_mem, sc_vector_subcore>>
    %semaphore_signal3A_25 = arith.constant 1 : i32
    %semaphore_signal3A_26 = arith.constant 13 : i32
    tpu.sem_signal %arg6, %semaphore_signal3A_25 core_id %arg0 subcore_id %semaphore_signal3A_26 : memref<!tpu.semaphore, #tpu.memory_space<semaphore_mem, sc_vector_subcore>>
    %semaphore_signal3A_27 = arith.constant 1 : i32
    %semaphore_signal3A_28 = arith.constant 14 : i32
    tpu.sem_signal %arg6, %semaphore_signal3A_27 core_id %arg0 subcore_id %semaphore_signal3A_28 : memref<!tpu.semaphore, #tpu.memory_space<semaphore_mem, sc_vector_subcore>>
    %semaphore_signal3A_29 = arith.constant 1 : i32
    %semaphore_signal3A_30 = arith.constant 15 : i32
    tpu.sem_signal %arg6, %semaphore_signal3A_29 core_id %arg0 subcore_id %semaphore_signal3A_30 : memref<!tpu.semaphore, #tpu.memory_space<semaphore_mem, sc_vector_subcore>>
    return
  }
  func.func @_tec_fn(%arg0: i32, %arg1: i32, %arg2: memref<16x2048x1024xf32, #tpu.memory_space<hbm>>, %arg3: memref<16x2048xi32, #tpu.memory_space<hbm>>, %arg4: memref<16x1024xf32, #tpu.memory_space<hbm>>, %arg5: memref<16x2048xi32, #tpu.memory_space<vmem_shared>>, %arg6: memref<!tpu.dma_semaphore, #tpu.memory_space<semaphore_mem, sc_scalar_subcore>>, %arg7: memref<!tpu.semaphore, #tpu.memory_space<semaphore_mem>>, %arg8: memref<2064xi32, #tpu.memory_space<vmem>>, %arg9: memref<1024xf32, #tpu.memory_space<vmem>>) attributes {dimension_semantics = [#tpu.dimension_semantics<core_parallel>, #tpu.dimension_semantics<subcore_parallel>], iteration_bounds = array<i64: 1, 16>, scalar_prefetch = 0 : i64, scratch_operands = 5 : i64, tpu.core_type = #tpu.core_type<sc_vector_subcore>, window_params = [{transform_indices = #map2}, {transform_indices = #map3}, {transform_indices = #map3}]} {
    %semaphore_wait3A = arith.constant 1 : i32
    %semaphore_wait3A_0 = arith.constant true
    tpu.sem_wait %arg7, %semaphore_wait3A : memref<!tpu.semaphore, #tpu.memory_space<semaphore_mem>>
    "tpu.region"() ({
      %run_scoped3A = tpu.sem_alloc : memref<!tpu.dma_semaphore, #tpu.memory_space<semaphore_mem>>
      %dma_start3A = arith.constant 0 : i32
      %dma_start3A_63 = tpu.memref_slice %arg8[%dma_start3A] : memref<2064xi32, #tpu.memory_space<vmem>> -> memref<2048xi32, #tpu.memory_space<vmem>>
      %dma_start3A_64 = arith.constant 0 : i32
      %dma_start3A_65 = tpu.memref_slice %arg5[%arg1, %dma_start3A_64] : memref<16x2048xi32, #tpu.memory_space<vmem_shared>> -> memref<1x2048xi32, #tpu.memory_space<vmem_shared>>
      %dma_start3A_66 = tpu.memref_squeeze %dma_start3A_65 : memref<1x2048xi32, #tpu.memory_space<vmem_shared>> -> memref<2048xi32, #tpu.memory_space<vmem_shared>>
      %dma_start3A_67 = arith.constant 0 : i32
      %dma_start3A_68 = tpu.memref_slice %arg8[%dma_start3A_67] : memref<2064xi32, #tpu.memory_space<vmem>> -> memref<2048xi32, #tpu.memory_space<vmem>>
      %dma_start3A_69 = arith.constant 0 : i32
      %dma_start3A_70 = tpu.memref_slice %arg5[%arg1, %dma_start3A_69] : memref<16x2048xi32, #tpu.memory_space<vmem_shared>> -> memref<1x2048xi32, #tpu.memory_space<vmem_shared>>
      %dma_start3A_71 = tpu.memref_squeeze %dma_start3A_70 : memref<1x2048xi32, #tpu.memory_space<vmem_shared>> -> memref<2048xi32, #tpu.memory_space<vmem_shared>>
      tpu.enqueue_dma source(%dma_start3A_71 : memref<2048xi32, #tpu.memory_space<vmem_shared>>) target(%dma_start3A_68 : memref<2048xi32, #tpu.memory_space<vmem>>) target_semaphore(%run_scoped3A : memref<!tpu.dma_semaphore, #tpu.memory_space<semaphore_mem>>)
      %dma_wait3A = arith.constant 0 : i32
      %dma_wait3A_72 = tpu.memref_slice %arg8[%dma_wait3A] : memref<2064xi32, #tpu.memory_space<vmem>> -> memref<2048xi32, #tpu.memory_space<vmem>>
      %dma_wait3A_73 = arith.constant 0 : i32
      %dma_wait3A_74 = tpu.memref_slice %arg5[%arg1, %dma_wait3A_73] : memref<16x2048xi32, #tpu.memory_space<vmem_shared>> -> memref<1x2048xi32, #tpu.memory_space<vmem_shared>>
      %dma_wait3A_75 = tpu.memref_squeeze %dma_wait3A_74 : memref<1x2048xi32, #tpu.memory_space<vmem_shared>> -> memref<2048xi32, #tpu.memory_space<vmem_shared>>
      %dma_wait3A_76 = arith.constant 0 : i32
      %dma_wait3A_77 = tpu.memref_slice %arg8[%dma_wait3A_76] : memref<2064xi32, #tpu.memory_space<vmem>> -> memref<2048xi32, #tpu.memory_space<vmem>>
      %dma_wait3A_78 = arith.constant 0 : i32
      %dma_wait3A_79 = tpu.memref_slice %arg5[%arg1, %dma_wait3A_78] : memref<16x2048xi32, #tpu.memory_space<vmem_shared>> -> memref<1x2048xi32, #tpu.memory_space<vmem_shared>>
      %dma_wait3A_80 = tpu.memref_squeeze %dma_wait3A_79 : memref<1x2048xi32, #tpu.memory_space<vmem_shared>> -> memref<2048xi32, #tpu.memory_space<vmem_shared>>
      tpu.wait_dma2 semaphore(%run_scoped3A : memref<!tpu.dma_semaphore, #tpu.memory_space<semaphore_mem>>) src(%dma_wait3A_80 : memref<2048xi32, #tpu.memory_space<vmem_shared>>) dst(%dma_wait3A_77 : memref<2048xi32, #tpu.memory_space<vmem>>)
      tpu.yield
    }) : () -> ()
    %broadcast_in_dim3A = arith.constant 0 : i32
    %broadcast_in_dim3A_1 = vector.broadcast %broadcast_in_dim3A : i32 to vector<16xi32>
    %scan3A = arith.constant 0 : i32
    %scan3A_2 = arith.constant 128 : i32
    %scan3A_3 = arith.addi %scan3A, %scan3A_2 : i32
    %scan3A_4 = arith.constant 8 : i32
    %scan3A_5 = scf.for %scan3A_63 = %scan3A to %scan3A_3 step %scan3A_4 iter_args(%scan3A_64 = %broadcast_in_dim3A_1) -> (vector<16xi32>)  : i32 {
      %mul3A = arith.constant 16 : i32
      %mul3A_65 = arith.muli %scan3A_63, %mul3A : i32
      %get3A_66 = arith.index_cast %mul3A_65 : i32 to index
      %get3A_67 = tpu.vector_load %arg8[%get3A_66] {strides = array<i32>} : memref<2064xi32, #tpu.memory_space<vmem>>, vector<16xi32>,
      %get3A_68 = vector.shape_cast %get3A_67 : vector<16xi32> to vector<16xi32>
      %add3A_69 = arith.addi %scan3A_64, %get3A_68 : vector<16xi32>
      %scan3A_70 = arith.constant 1 : i32
      %scan3A_71 = arith.addi %scan3A_63, %scan3A_70 : i32
      %mul3A_72 = arith.constant 16 : i32
      %mul3A_73 = arith.muli %scan3A_71, %mul3A_72 : i32
      %get3A_74 = arith.index_cast %mul3A_73 : i32 to index
      %get3A_75 = tpu.vector_load %arg8[%get3A_74] {strides = array<i32>} : memref<2064xi32, #tpu.memory_space<vmem>>, vector<16xi32>,
      %get3A_76 = vector.shape_cast %get3A_75 : vector<16xi32> to vector<16xi32>
      %add3A_77 = arith.addi %add3A_69, %get3A_76 : vector<16xi32>
      %scan3A_78 = arith.constant 2 : i32
      %scan3A_79 = arith.addi %scan3A_63, %scan3A_78 : i32
      %mul3A_80 = arith.constant 16 : i32
      %mul3A_81 = arith.muli %scan3A_79, %mul3A_80 : i32
      %get3A_82 = arith.index_cast %mul3A_81 : i32 to index
      %get3A_83 = tpu.vector_load %arg8[%get3A_82] {strides = array<i32>} : memref<2064xi32, #tpu.memory_space<vmem>>, vector<16xi32>,
      %get3A_84 = vector.shape_cast %get3A_83 : vector<16xi32> to vector<16xi32>
      %add3A_85 = arith.addi %add3A_77, %get3A_84 : vector<16xi32>
      %scan3A_86 = arith.constant 3 : i32
      %scan3A_87 = arith.addi %scan3A_63, %scan3A_86 : i32
      %mul3A_88 = arith.constant 16 : i32
      %mul3A_89 = arith.muli %scan3A_87, %mul3A_88 : i32
      %get3A_90 = arith.index_cast %mul3A_89 : i32 to index
      %get3A_91 = tpu.vector_load %arg8[%get3A_90] {strides = array<i32>} : memref<2064xi32, #tpu.memory_space<vmem>>, vector<16xi32>,
      %get3A_92 = vector.shape_cast %get3A_91 : vector<16xi32> to vector<16xi32>
      %add3A_93 = arith.addi %add3A_85, %get3A_92 : vector<16xi32>
      %scan3A_94 = arith.constant 4 : i32
      %scan3A_95 = arith.addi %scan3A_63, %scan3A_94 : i32
      %mul3A_96 = arith.constant 16 : i32
      %mul3A_97 = arith.muli %scan3A_95, %mul3A_96 : i32
      %get3A_98 = arith.index_cast %mul3A_97 : i32 to index
      %get3A_99 = tpu.vector_load %arg8[%get3A_98] {strides = array<i32>} : memref<2064xi32, #tpu.memory_space<vmem>>, vector<16xi32>,
      %get3A_100 = vector.shape_cast %get3A_99 : vector<16xi32> to vector<16xi32>
      %add3A_101 = arith.addi %add3A_93, %get3A_100 : vector<16xi32>
      %scan3A_102 = arith.constant 5 : i32
      %scan3A_103 = arith.addi %scan3A_63, %scan3A_102 : i32
      %mul3A_104 = arith.constant 16 : i32
      %mul3A_105 = arith.muli %scan3A_103, %mul3A_104 : i32
      %get3A_106 = arith.index_cast %mul3A_105 : i32 to index
      %get3A_107 = tpu.vector_load %arg8[%get3A_106] {strides = array<i32>} : memref<2064xi32, #tpu.memory_space<vmem>>, vector<16xi32>,
      %get3A_108 = vector.shape_cast %get3A_107 : vector<16xi32> to vector<16xi32>
      %add3A_109 = arith.addi %add3A_101, %get3A_108 : vector<16xi32>
      %scan3A_110 = arith.constant 6 : i32
      %scan3A_111 = arith.addi %scan3A_63, %scan3A_110 : i32
      %mul3A_112 = arith.constant 16 : i32
      %mul3A_113 = arith.muli %scan3A_111, %mul3A_112 : i32
      %get3A_114 = arith.index_cast %mul3A_113 : i32 to index
      %get3A_115 = tpu.vector_load %arg8[%get3A_114] {strides = array<i32>} : memref<2064xi32, #tpu.memory_space<vmem>>, vector<16xi32>,
      %get3A_116 = vector.shape_cast %get3A_115 : vector<16xi32> to vector<16xi32>
      %add3A_117 = arith.addi %add3A_109, %get3A_116 : vector<16xi32>
      %scan3A_118 = arith.constant 7 : i32
      %scan3A_119 = arith.addi %scan3A_63, %scan3A_118 : i32
      %mul3A_120 = arith.constant 16 : i32
      %mul3A_121 = arith.muli %scan3A_119, %mul3A_120 : i32
      %get3A_122 = arith.index_cast %mul3A_121 : i32 to index
      %get3A_123 = tpu.vector_load %arg8[%get3A_122] {strides = array<i32>} : memref<2064xi32, #tpu.memory_space<vmem>>, vector<16xi32>,
      %get3A_124 = vector.shape_cast %get3A_123 : vector<16xi32> to vector<16xi32>
      %add3A_125 = arith.addi %add3A_117, %get3A_124 : vector<16xi32>
      scf.yield %add3A_125 : vector<16xi32>
    }
    %scan3A_6 = arith.constant 128 : i32
    %slice3A = vector.extract_strided_slice %scan3A_5 {offsets = [0], sizes = [1], strides = [1]} : vector<16xi32> to vector<1xi32>
    %squeeze3A = vector.extract %slice3A[0] : i32 from vector<1xi32>
    %slice3A_7 = vector.extract_strided_slice %scan3A_5 {offsets = [1], sizes = [1], strides = [1]} : vector<16xi32> to vector<1xi32>
    %squeeze3A_8 = vector.extract %slice3A_7[0] : i32 from vector<1xi32>
    %add3A = arith.addi %squeeze3A, %squeeze3A_8 : i32
    %slice3A_9 = vector.extract_strided_slice %scan3A_5 {offsets = [2], sizes = [1], strides = [1]} : vector<16xi32> to vector<1xi32>
    %squeeze3A_10 = vector.extract %slice3A_9[0] : i32 from vector<1xi32>
    %add3A_11 = arith.addi %add3A, %squeeze3A_10 : i32
    %slice3A_12 = vector.extract_strided_slice %scan3A_5 {offsets = [3], sizes = [1], strides = [1]} : vector<16xi32> to vector<1xi32>
    %squeeze3A_13 = vector.extract %slice3A_12[0] : i32 from vector<1xi32>
    %add3A_14 = arith.addi %add3A_11, %squeeze3A_13 : i32
    %slice3A_15 = vector.extract_strided_slice %scan3A_5 {offsets = [4], sizes = [1], strides = [1]} : vector<16xi32> to vector<1xi32>
    %squeeze3A_16 = vector.extract %slice3A_15[0] : i32 from vector<1xi32>
    %add3A_17 = arith.addi %add3A_14, %squeeze3A_16 : i32
    %slice3A_18 = vector.extract_strided_slice %scan3A_5 {offsets = [5], sizes = [1], strides = [1]} : vector<16xi32> to vector<1xi32>
    %squeeze3A_19 = vector.extract %slice3A_18[0] : i32 from vector<1xi32>
    %add3A_20 = arith.addi %add3A_17, %squeeze3A_19 : i32
    %slice3A_21 = vector.extract_strided_slice %scan3A_5 {offsets = [6], sizes = [1], strides = [1]} : vector<16xi32> to vector<1xi32>
    %squeeze3A_22 = vector.extract %slice3A_21[0] : i32 from vector<1xi32>
    %add3A_23 = arith.addi %add3A_20, %squeeze3A_22 : i32
    %slice3A_24 = vector.extract_strided_slice %scan3A_5 {offsets = [7], sizes = [1], strides = [1]} : vector<16xi32> to vector<1xi32>
    %squeeze3A_25 = vector.extract %slice3A_24[0] : i32 from vector<1xi32>
    %add3A_26 = arith.addi %add3A_23, %squeeze3A_25 : i32
    %slice3A_27 = vector.extract_strided_slice %scan3A_5 {offsets = [8], sizes = [1], strides = [1]} : vector<16xi32> to vector<1xi32>
    %squeeze3A_28 = vector.extract %slice3A_27[0] : i32 from vector<1xi32>
    %add3A_29 = arith.addi %add3A_26, %squeeze3A_28 : i32
    %slice3A_30 = vector.extract_strided_slice %scan3A_5 {offsets = [9], sizes = [1], strides = [1]} : vector<16xi32> to vector<1xi32>
    %squeeze3A_31 = vector.extract %slice3A_30[0] : i32 from vector<1xi32>
    %add3A_32 = arith.addi %add3A_29, %squeeze3A_31 : i32
    %slice3A_33 = vector.extract_strided_slice %scan3A_5 {offsets = [10], sizes = [1], strides = [1]} : vector<16xi32> to vector<1xi32>
    %squeeze3A_34 = vector.extract %slice3A_33[0] : i32 from vector<1xi32>
    %add3A_35 = arith.addi %add3A_32, %squeeze3A_34 : i32
    %slice3A_36 = vector.extract_strided_slice %scan3A_5 {offsets = [11], sizes = [1], strides = [1]} : vector<16xi32> to vector<1xi32>
    %squeeze3A_37 = vector.extract %slice3A_36[0] : i32 from vector<1xi32>
    %add3A_38 = arith.addi %add3A_35, %squeeze3A_37 : i32
    %slice3A_39 = vector.extract_strided_slice %scan3A_5 {offsets = [12], sizes = [1], strides = [1]} : vector<16xi32> to vector<1xi32>
    %squeeze3A_40 = vector.extract %slice3A_39[0] : i32 from vector<1xi32>
    %add3A_41 = arith.addi %add3A_38, %squeeze3A_40 : i32
    %slice3A_42 = vector.extract_strided_slice %scan3A_5 {offsets = [13], sizes = [1], strides = [1]} : vector<16xi32> to vector<1xi32>
    %squeeze3A_43 = vector.extract %slice3A_42[0] : i32 from vector<1xi32>
    %add3A_44 = arith.addi %add3A_41, %squeeze3A_43 : i32
    %slice3A_45 = vector.extract_strided_slice %scan3A_5 {offsets = [14], sizes = [1], strides = [1]} : vector<16xi32> to vector<1xi32>
    %squeeze3A_46 = vector.extract %slice3A_45[0] : i32 from vector<1xi32>
    %add3A_47 = arith.addi %add3A_44, %squeeze3A_46 : i32
    %slice3A_48 = vector.extract_strided_slice %scan3A_5 {offsets = [15], sizes = [1], strides = [1]} : vector<16xi32> to vector<1xi32>
    %squeeze3A_49 = vector.extract %slice3A_48[0] : i32 from vector<1xi32>
    %add3A_50 = arith.addi %add3A_47, %squeeze3A_49 : i32
    %sub3A = arith.constant 1 : i32
    %sub3A_51 = arith.subi %add3A_50, %sub3A : i32
    %max3A = arith.constant 0 : i32
    %max3A_52 = arith.maxsi %sub3A_51, %max3A : i32
    %get3A = arith.index_cast %max3A_52 : i32 to index
    %get3A_53 = tpu.vector_load %arg8[%get3A] {strides = array<i32>} : memref<2064xi32, #tpu.memory_space<vmem>>, vector<16xi32>,
    %get3A_54 = vector.shape_cast %get3A_53 : vector<16xi32> to vector<16xi32>
    %slice3A_55 = vector.extract_strided_slice %get3A_54 {offsets = [0], sizes = [1], strides = [1]} : vector<16xi32> to vector<1xi32>
    %squeeze3A_56 = vector.extract %slice3A_55[0] : i32 from vector<1xi32>
    %ne3A = arith.constant 0 : i32
    %ne3A_57 = arith.cmpi ne, %squeeze3A_56, %ne3A : i32
    %convert_element_type3A = arith.extui %ne3A_57 : i1 to i32
    %cond3A = arith.constant 0 : i32
    %cond3A_58 = arith.cmpi ne, %convert_element_type3A, %cond3A : i32
    scf.if %cond3A_58 {
      "tpu.region"() ({
        %run_scoped3A = tpu.sem_alloc : memref<!tpu.dma_semaphore, #tpu.memory_space<semaphore_mem>>
        %dma_start3A = arith.constant 0 : i32
        %dma_start3A_63 = tpu.memref_slice %arg2[%arg1, %max3A_52, %dma_start3A] : memref<16x2048x1024xf32, #tpu.memory_space<hbm>> -> memref<1x1x1024xf32, #tpu.memory_space<hbm>>
        %dma_start3A_64 = tpu.memref_squeeze %dma_start3A_63 : memref<1x1x1024xf32, #tpu.memory_space<hbm>> -> memref<1024xf32, #tpu.memory_space<hbm>>
        %dma_start3A_65 = arith.constant 0 : i32
        %dma_start3A_66 = tpu.memref_slice %arg2[%arg1, %max3A_52, %dma_start3A_65] : memref<16x2048x1024xf32, #tpu.memory_space<hbm>> -> memref<1x1x1024xf32, #tpu.memory_space<hbm>>
        %dma_start3A_67 = tpu.memref_squeeze %dma_start3A_66 : memref<1x1x1024xf32, #tpu.memory_space<hbm>> -> memref<1024xf32, #tpu.memory_space<hbm>>
        tpu.enqueue_dma source(%dma_start3A_67 : memref<1024xf32, #tpu.memory_space<hbm>>) target(%arg9 : memref<1024xf32, #tpu.memory_space<vmem>>) target_semaphore(%run_scoped3A : memref<!tpu.dma_semaphore, #tpu.memory_space<semaphore_mem>>)
        %dma_wait3A = arith.constant 0 : i32
        %dma_wait3A_68 = tpu.memref_slice %arg2[%arg1, %max3A_52, %dma_wait3A] : memref<16x2048x1024xf32, #tpu.memory_space<hbm>> -> memref<1x1x1024xf32, #tpu.memory_space<hbm>>
        %dma_wait3A_69 = tpu.memref_squeeze %dma_wait3A_68 : memref<1x1x1024xf32, #tpu.memory_space<hbm>> -> memref<1024xf32, #tpu.memory_space<hbm>>
        %dma_wait3A_70 = arith.constant 0 : i32
        %dma_wait3A_71 = tpu.memref_slice %arg2[%arg1, %max3A_52, %dma_wait3A_70] : memref<16x2048x1024xf32, #tpu.memory_space<hbm>> -> memref<1x1x1024xf32, #tpu.memory_space<hbm>>
        %dma_wait3A_72 = tpu.memref_squeeze %dma_wait3A_71 : memref<1x1x1024xf32, #tpu.memory_space<hbm>> -> memref<1024xf32, #tpu.memory_space<hbm>>
        tpu.wait_dma2 semaphore(%run_scoped3A : memref<!tpu.dma_semaphore, #tpu.memory_space<semaphore_mem>>) src(%dma_wait3A_72 : memref<1024xf32, #tpu.memory_space<hbm>>) dst(%arg9 : memref<1024xf32, #tpu.memory_space<vmem>>)
        tpu.yield
      }) : () -> ()
    } else {
    }
    %eq3A = arith.constant 0 : i32
    %eq3A_59 = arith.cmpi eq, %squeeze3A_56, %eq3A : i32
    %convert_element_type3A_60 = arith.extui %eq3A_59 : i1 to i32
    %cond3A_61 = arith.constant 0 : i32
    %cond3A_62 = arith.cmpi ne, %convert_element_type3A_60, %cond3A_61 : i32
    scf.if %cond3A_62 {
      %broadcast_in_dim3A_63 = arith.constant 0.000000e+00 : f32
      %broadcast_in_dim3A_64 = vector.broadcast %broadcast_in_dim3A_63 : f32 to vector<16xf32>
      %scan3A_65 = arith.constant 0 : i32
      %scan3A_66 = arith.constant 0 : i32
      %scan3A_67 = arith.constant 64 : i32
      %scan3A_68 = arith.addi %scan3A_66, %scan3A_67 : i32
      %scan3A_69 = arith.constant 4 : i32
      scf.for %scan3A_71 = %scan3A_66 to %scan3A_68 step %scan3A_69  : i32 {
        %mul3A = arith.constant 16 : i32
        %mul3A_72 = arith.muli %scan3A_71, %mul3A : i32
        %swap3A = arith.index_cast %mul3A_72 : i32 to index
        %swap3A_73 = tpu.vector_load %arg9[%swap3A] {strides = array<i32>} : memref<1024xf32, #tpu.memory_space<vmem>>, vector<16xf32>,
        %swap3A_74 = vector.shape_cast %swap3A_73 : vector<16xf32> to vector<16xf32>
        %swap3A_75 = vector.shape_cast %broadcast_in_dim3A_64 : vector<16xf32> to vector<16xf32>
        tpu.vector_store %arg9[%swap3A], %swap3A_75 {strides = array<i32>} : memref<1024xf32, #tpu.memory_space<vmem>>, vector<16xf32>,
        %scan3A_76 = arith.constant 1 : i32
        %scan3A_77 = arith.addi %scan3A_71, %scan3A_76 : i32
        %mul3A_78 = arith.constant 16 : i32
        %mul3A_79 = arith.muli %scan3A_77, %mul3A_78 : i32
        %swap3A_80 = arith.index_cast %mul3A_79 : i32 to index
        %swap3A_81 = tpu.vector_load %arg9[%swap3A_80] {strides = array<i32>} : memref<1024xf32, #tpu.memory_space<vmem>>, vector<16xf32>,
        %swap3A_82 = vector.shape_cast %swap3A_81 : vector<16xf32> to vector<16xf32>
        %swap3A_83 = vector.shape_cast %broadcast_in_dim3A_64 : vector<16xf32> to vector<16xf32>
        tpu.vector_store %arg9[%swap3A_80], %swap3A_83 {strides = array<i32>} : memref<1024xf32, #tpu.memory_space<vmem>>, vector<16xf32>,
        %scan3A_84 = arith.constant 2 : i32
        %scan3A_85 = arith.addi %scan3A_71, %scan3A_84 : i32
        %mul3A_86 = arith.constant 16 : i32
        %mul3A_87 = arith.muli %scan3A_85, %mul3A_86 : i32
        %swap3A_88 = arith.index_cast %mul3A_87 : i32 to index
        %swap3A_89 = tpu.vector_load %arg9[%swap3A_88] {strides = array<i32>} : memref<1024xf32, #tpu.memory_space<vmem>>, vector<16xf32>,
        %swap3A_90 = vector.shape_cast %swap3A_89 : vector<16xf32> to vector<16xf32>
        %swap3A_91 = vector.shape_cast %broadcast_in_dim3A_64 : vector<16xf32> to vector<16xf32>
        tpu.vector_store %arg9[%swap3A_88], %swap3A_91 {strides = array<i32>} : memref<1024xf32, #tpu.memory_space<vmem>>, vector<16xf32>,
        %scan3A_92 = arith.constant 3 : i32
        %scan3A_93 = arith.addi %scan3A_71, %scan3A_92 : i32
        %mul3A_94 = arith.constant 16 : i32
        %mul3A_95 = arith.muli %scan3A_93, %mul3A_94 : i32
        %swap3A_96 = arith.index_cast %mul3A_95 : i32 to index
        %swap3A_97 = tpu.vector_load %arg9[%swap3A_96] {strides = array<i32>} : memref<1024xf32, #tpu.memory_space<vmem>>, vector<16xf32>,
        %swap3A_98 = vector.shape_cast %swap3A_97 : vector<16xf32> to vector<16xf32>
        %swap3A_99 = vector.shape_cast %broadcast_in_dim3A_64 : vector<16xf32> to vector<16xf32>
        tpu.vector_store %arg9[%swap3A_96], %swap3A_99 {strides = array<i32>} : memref<1024xf32, #tpu.memory_space<vmem>>, vector<16xf32>,
      }
      %scan3A_70 = arith.constant 64 : i32
    } else {
    }
    "tpu.region"() ({
      %run_scoped3A = tpu.sem_alloc : memref<!tpu.dma_semaphore, #tpu.memory_space<semaphore_mem>>
      %dma_start3A = arith.constant 0 : i32
      %dma_start3A_63 = tpu.memref_slice %arg4[%arg1, %dma_start3A] : memref<16x1024xf32, #tpu.memory_space<hbm>> -> memref<1x1024xf32, #tpu.memory_space<hbm>>
      %dma_start3A_64 = tpu.memref_squeeze %dma_start3A_63 : memref<1x1024xf32, #tpu.memory_space<hbm>> -> memref<1024xf32, #tpu.memory_space<hbm>>
      %dma_start3A_65 = arith.constant 0 : i32
      %dma_start3A_66 = tpu.memref_slice %arg4[%arg1, %dma_start3A_65] : memref<16x1024xf32, #tpu.memory_space<hbm>> -> memref<1x1024xf32, #tpu.memory_space<hbm>>
      %dma_start3A_67 = tpu.memref_squeeze %dma_start3A_66 : memref<1x1024xf32, #tpu.memory_space<hbm>> -> memref<1024xf32, #tpu.memory_space<hbm>>
      tpu.enqueue_dma source(%arg9 : memref<1024xf32, #tpu.memory_space<vmem>>) target(%dma_start3A_67 : memref<1024xf32, #tpu.memory_space<hbm>>) target_semaphore(%run_scoped3A : memref<!tpu.dma_semaphore, #tpu.memory_space<semaphore_mem>>)
      %dma_wait3A = arith.constant 0 : i32
      %dma_wait3A_68 = tpu.memref_slice %arg4[%arg1, %dma_wait3A] : memref<16x1024xf32, #tpu.memory_space<hbm>> -> memref<1x1024xf32, #tpu.memory_space<hbm>>
      %dma_wait3A_69 = tpu.memref_squeeze %dma_wait3A_68 : memref<1x1024xf32, #tpu.memory_space<hbm>> -> memref<1024xf32, #tpu.memory_space<hbm>>
      %dma_wait3A_70 = arith.constant 0 : i32
      %dma_wait3A_71 = tpu.memref_slice %arg4[%arg1, %dma_wait3A_70] : memref<16x1024xf32, #tpu.memory_space<hbm>> -> memref<1x1024xf32, #tpu.memory_space<hbm>>
      %dma_wait3A_72 = tpu.memref_squeeze %dma_wait3A_71 : memref<1x1024xf32, #tpu.memory_space<hbm>> -> memref<1024xf32, #tpu.memory_space<hbm>>
      tpu.wait_dma2 semaphore(%run_scoped3A : memref<!tpu.dma_semaphore, #tpu.memory_space<semaphore_mem>>) src(%arg9 : memref<1024xf32, #tpu.memory_space<vmem>>) dst(%dma_wait3A_72 : memref<1024xf32, #tpu.memory_space<hbm>>)
      tpu.yield
    }) : () -> ()
    return
  }
}

</mosaic_0001>

<sc_bundles>
// kernel: kernel.3.cloned.1.call-start
scs
__scs_entry_jumppad:
0x0: {  	(pc) =	sbr.rel $0x88, $3  }
0x1: {  	(tag) =	ssettag $0x0;
	lr =	simm.s32 $0x1  }
0x2: {  	[smem:$0x3F9F] =	sst lr;
	_ =	strace $0xD0000000  }
0x3: {  	_ = 	snop  }
0x4: {  	_ = 	snop  }
0x5: {  	_ = 	snop  }
0x6: {  	_ = 	snop  }
0x7: {  	_ = 	snop  }
__scs_overlays_trampoline_lowered:
0x8: {  	[smem:$0x3FAE] =	sst s0  }
0x9: {  	[smem:$0x3FAF] =	sst s1  }
0xa: {  	[smem:$0x3FB0] =	sst s2  }
0xb: {  	[smem:$0x3FB1] =	sst s3  }
0xc: {  	[smem:$0x3FB2] =	sst s4  }
0xd: {  	[smem:$0x3FB3] =	sst s5  }
0xe: {  	[smem:$0x3FB4] =	sst s6  }
0xf: {  	[smem:$0x3FB5] =	sst s7  }
0x10: {  	[smem:$0x3FB6] =	sst s8  }
0x11: {  	[smem:$0x3FB7] =	sst s9;
	s0 =	simm.s32 @!p0 $0x0  }
0x12: {  	s1 =	sld [smem:$0x3F9D];
	s0 =	simm.s32 @p0 $0x1  }
0x13: {  	[smem:$0x3FB8] =	sst s0;
	s0 =	simm.s32 @!p1 $0x0  }
0x14: {  	s2 =	sld [smem:$0x3F9C];
	s0 =	simm.s32 @p1 $0x1  }
0x15: {  	[smem:$0x3FB9] =	sst s0;
	s0 =	simm.s32 @!p2 $0x0  }
0x16: {  	s3 =	sld [smem:$0x3FDB];
	s0 =	simm.s32 @p2 $0x1  }
0x17: {  	s4 =	simm.s32 $0x1BF5;
	[smem:$0x3FBB] =	sst s0  }
0x18: {  	s0 =	sld [smem:$0x3F9E];
	_ =	swait.ge [sflag:s4], $0x0  }
0x19: {  	s7 =	sld [smem:$0x3F9F]  }
0x1a: {  	s8 =	sadd.s32 $0xFFFFE003, lr  }
0x1b: {  	s9 =	sadd.s32 $0xFFFFFEF7, lr;
	s5 =	simm.s32 $0xFFFFFFFF;
	p2 =	slt.u32 s8, $0xFFFFF086  }
0x1c: {  	p1 =	slt.u32 s9, $0xF7A;
	s5 =	simm.s32 @!p2 $0x0  }
0x1d: {  	s5 =	simm.s32 @p1 $0x1;
	p0 =	seq.s32 s7, s2  }
0x1e: {  	s7 =	smul.u32 @!p0 $0xF7A, s2;
	p2 =	seq.s32 @!p0 s5, $0x0  }
0x1f: {  	s9 =	smul.u32 $0xF7A, s1;
	s8 =	simm.s32 @!p0 $0x1BF5;
	p2 =	por !p2, p0  }
0x20: {  	[sflag:s8] =	ssyncset.s32 @!p0 $0xFFFFF086;
	s6 =	sadd.s32 @!p0 s3, s7;
	s7 =	simm.s32 @!p0 $0x108  }
0x21: {  	s3 =	sadd.s32 s3, s9;
	s6 =	sadd.s32 @!p0 $0x88, s6;
	s7 =	simm.s32 @p2 $0x1082  }
0x22: {  	[simem:s7], [sflag:s8] =	dma.local @!p0 [hbm:s6], $0xF7A  }
0x23: {  	s9 =	sor.u32 $0xD0000000, s2;
	s6 =	simm.s32 $0x108;
	_ =	swait.ge @!p0 [sflag:s8], $0x0  }
0x24: {  	s3 =	sadd.s32 $0x88, s3;
	s6 =	simm.s32 @!p1 $0x1082;
	[sflag:s4] =	ssyncset.s32 $0xFFFFF086  }
0x25: {  	[simem:s6], [sflag:s4] =	dma.local [hbm:s3], $0xF7A  }
0x26: {  	[smem:$0x3F9F] =	sst s1;
	(tag) =	ssettag s2;
	_ =	strace s9  }
0x27: {  	s1 =	sld [smem:$0x3FAF]  }
0x28: {  	s2 =	sld [smem:$0x3FB0]  }
0x29: {  	s4 =	sld [smem:$0x3FB2]  }
0x2a: {  	p0 =	seq.s32 s5, $0x0;
	s5 =	sld [smem:$0x3FB3]  }
0x2b: {  	s6 =	sld [smem:$0x3FB4]  }
0x2c: {  	s7 =	sld [smem:$0x3FB5]  }
0x2d: {  	s3 =	simm.s32 $0x108;
	s8 =	sld [smem:$0x3FB6]  }
0x2e: {  	s3 =	simm.s32 @!p0 $0x1082;
	s9 =	sld [smem:$0x3FB7]  }
0x2f: {  	lr =	sadd.s32 s0, s3;
	s0 =	sld [smem:$0x3FAE]  }
0x30: {  	s3 =	sld [smem:$0x3FB1]  }
0x31: {  	[smem:$0x3FBA] =	sst s10  }
0x32: {  	s10 =	sld [smem:$0x3FB8];
	_ =	sdelay $0x3  }
0x33: {  	p0 =	seq.s32 s10, $0x1;
	s10 =	sld [smem:$0x3FBA];
	_ =	sdelay $0x3  }
0x34: {  	[smem:$0x3FBA] =	sst s10  }
0x35: {  	s10 =	sld [smem:$0x3FB9];
	_ =	sdelay $0x3  }
0x36: {  	p1 =	seq.s32 s10, $0x1;
	s10 =	sld [smem:$0x3FBA];
	_ =	sdelay $0x3  }
0x37: {  	[smem:$0x3FBA] =	sst s10  }
0x38: {  	s10 =	sld [smem:$0x3FBB]  }
0x39: {  	_ = 	snop;
	(pc) =	sbr.ind lr, $3  }
0x3a: {  	_ = 	snop  }
0x3b: {  	_ = 	snop  }
0x3c: {  	p2 =	seq.s32 s10, $0x1;
	s10 =	sld [smem:$0x3FBA]  }
0x3d: {  	_ =	shalt  }
0x3e: {  	_ =	shalt  }
0x3f: {  	_ =	shalt  }
0x40: {  	_ =	shalt  }
0x41: {  	_ =	shalt  }
0x42: {  	_ =	shalt  }
0x43: {  	_ =	shalt  }
0x44: {  	_ =	shalt  }
0x45: {  	_ =	shalt  }
0x46: {  	_ =	shalt  }
0x47: {  	_ =	shalt  }
0x48: {  	_ =	shalt  }
0x49: {  	_ =	shalt  }
0x4a: {  	_ =	shalt  }
0x4b: {  	_ =	shalt  }
0x4c: {  	_ =	shalt  }
0x4d: {  	_ =	shalt  }
0x4e: {  	_ =	shalt  }
0x4f: {  	_ =	shalt  }
0x50: {  	_ =	shalt  }
0x51: {  	_ =	shalt  }
0x52: {  	_ =	shalt  }
0x53: {  	_ =	shalt  }
0x54: {  	_ =	shalt  }
0x55: {  	_ =	shalt  }
0x56: {  	_ =	shalt  }
0x57: {  	_ =	shalt  }
0x58: {  	_ =	shalt  }
0x59: {  	_ =	shalt  }
0x5a: {  	_ =	shalt  }
0x5b: {  	_ =	shalt  }
0x5c: {  	_ =	shalt  }
0x5d: {  	_ =	shalt  }
0x5e: {  	_ =	shalt  }
0x5f: {  	_ =	shalt  }
0x60: {  	_ =	shalt  }
0x61: {  	_ =	shalt  }
0x62: {  	_ =	shalt  }
0x63: {  	_ =	shalt  }
0x64: {  	_ =	shalt  }
0x65: {  	_ =	shalt  }
0x66: {  	_ =	shalt  }
0x67: {  	_ =	shalt  }
0x68: {  	_ =	shalt  }
0x69: {  	_ =	shalt  }
0x6a: {  	_ =	shalt  }
0x6b: {  	_ =	shalt  }
0x6c: {  	_ =	shalt  }
0x6d: {  	_ =	shalt  }
0x6e: {  	_ =	shalt  }
0x6f: {  	_ =	shalt  }
0x70: {  	_ =	shalt  }
0x71: {  	_ =	shalt  }
0x72: {  	_ =	shalt  }
0x73: {  	_ =	shalt  }
0x74: {  	_ =	shalt  }
0x75: {  	_ =	shalt  }
0x76: {  	_ =	shalt  }
0x77: {  	_ =	shalt  }
0x78: {  	_ =	shalt  }
0x79: {  	_ =	shalt  }
0x7a: {  	_ =	shalt  }
0x7b: {  	_ =	shalt  }
0x7c: {  	_ =	shalt  }
0x7d: {  	_ =	shalt  }
0x7e: {  	_ =	shalt  }
0x7f: {  	_ =	shalt  }
0x80: {  	_ =	shalt  }
0x81: {  	_ =	shalt  }
0x82: {  	_ =	shalt  }
0x83: {  	_ =	shalt  }
0x84: {  	_ =	shalt  }
0x85: {  	_ =	shalt  }
0x86: {  	_ =	shalt  }
0x87: {  	_ =	shalt  }
.Lfunc_end0:
.L_simem_size_0:
called_computation_lowered:
.L_overlay_start_0:
0x88: {  	s0 =	sld [smem:$0x3FD9]  }
0x89: {  	s1 =	sld [smem:$0x3FFE];
	_ =	sdelay $0x3  }
0x8a: {  	s0 =	sadd.s32 s1, s0  }
0x8b: {  	[smem:$0x3FC6] =	sst s0  }
0x8c: {  	_ = 	snop  }
0x8d: {  	s28 =	sld [smem:$0x3FC9]  }
0x8e: {  	s2 =	sld [smem:$0x3FC8]  }
0x8f: {  	s3 =	sld [smem:$0x3FD0];
	(tm) =	ssettm $0x1  }
0x90: {  	s29 =	sld [smem:$0x3FFB];
	_ =	sdelay $0x3  }
0x91: {  	_ =	strace s29  }
0x92: {  	s0 =	sld [smem:$0x3FFC];
	_ =	sdelay $0x3  }
0x93: {  	_ =	strace s0  }
0x94: {  	s0 =	sld [smem:$0x3FFD];
	_ =	sdelay $0x3  }
0x95: {  	_ =	strace s0  }
0x96: {  	_ =	strace $0x8FFFFFFF  }
0x97: {  	s30 =	sld [smem:$0x3FDB];
	_ =	sdelay $0x1  }
0x98: {  	s4 =	simm.s32 $_scs_section_size  }
0x99: {  	s5 =	simm.s32 $_size__tile_overlayer_lowered;
	s6 =	simm.s32 $_tile_overlayer_lowered  }
0x9a: {  	s7 =	simm.s32 $0x1BFF;
	s31 =	sshll.u32 s6, $0x1;
	s4 =	sadd.s32 s4, s30  }
0x9b: {  	s5 =	sshll.u32 s5, $0x1;
	s0 =	simm.s32 $0x0;
	s6 =	sadd.s32 s31, s4  }
0x9c: {  	[timem:s0], [sflag:s7] =	dma.local [hbm:s6], s5  }
0x9d: {  	_ =	swait.ge [sflag:s7], s5  }
0x9e: {  	s5 =	ssub.s32 $0x0, s5;
	[sflag:s7] =	ssyncset.done $0x0  }
0x9f: {  	[sflag:s7] =	ssyncadd.s32 s5;
	_ =	sdelay $0x1  }
0xa0: {  	s6 =	simm.s32 $0x1B8B  }
0xa1: {  	_ =	swait.ge [sflag:s6], $0x1  }
0xa2: {  	[sflag:s6] =	ssyncset.done $0x0  }
0xa3: {  	s7 =	simm.s32 $0x1B8E;
	[sflag:s6] =	ssyncadd.s32 $0xFFFFFFFF  }
0xa4: {  	s8 =	simm.s32 $execute0_lowered;
	[smem:$0x3FD2] =	sst s7  }
0xa5: {  	s5 =	sshll.u32 s8, $0x1;
	_ =	strace $0x80000046;
	[dreg:$0x1] =	wrdreg $0xFFFFFFFF  }
0xa6: {  	s9 =	simm.s32 $_size_execute0_lowered;
	s4 =	sadd.s32 s4, s5;
	[dreg:$0x0] =	wrdreg $0x0  }
0xa7: {  	s5 =	sshll.u32 s9, $0x1;
	[dreg:$0x2] =	wrdreg s4  }
0xa8: {  	[dreg:$0x3] =	wrdreg s5  }
0xa9: {  	[dreg:$0x4] =	wrdreg $0xC0  }
0xaa: {  	_ =	task [dreg:s0], $0x5FFFF  }
0xab: {  	[dreg:$0x1] =	wrdreg $0xFFFFFFFF  }
0xac: {  	[dreg:$0x0] =	wrdreg $0x60  }
0xad: {  	[dreg:$0x2] =	wrdreg s28  }
0xae: {  	[dreg:$0x3] =	wrdreg s3  }
0xaf: {  	[dreg:$0x4] =	wrdreg $0x0  }
0xb0: {  	[dreg:$0x5] =	wrdreg $0x9  }
0xb1: {  	s10 =	simm.s32 $0xA;
	_ =	task.clear_ibuf [dreg:s0], $0x6FFFF  }
0xb2: {  	[spmem:s0], [sflag:s10] =	dma.local [hbm:s2], $0x1000  }
0xb3: {  	_ =	swait.ge [sflag:s10], $0x1000  }
0xb4: {  	[sflag:s10] =	ssyncset.done $0x0  }
0xb5: {  	[sflag:s10] =	ssyncadd.s32 $0xFFFFF000  }
0xb6: {  	s1 =	sld [smem:$0x0];
	_ =	sdelay $0x1  }
0xb7: {  	s11 =	srdreg.scid  }
0xb8: {  	s12 =	sshrl.u32 s11, $0x2  }
0xb9: {  	s13 =	sand.u32 $0x2, s11;
	s1 =	sadd.s32 s12, s1  }
0xba: {  	s4 =	sshll.u32 s13, $0xE;
	s1 =	sshll.u32 s1, $0x11  }
0xbb: {  	s1 =	sor.u32 s1, s4  }
0xbc: {  	s4 =	sor.u32 $0x11C01, s1  }
0xbd: {  	s14 =	sor.u32 $0x11C41, s1;
	[sflag:s4] =	ssyncadd.remote.s32 $0x1  }
0xbe: {  	s15 =	sor.u32 $0x11C81, s1;
	[sflag:s14] =	ssyncadd.remote.s32 $0x1  }
0xbf: {  	s16 =	sor.u32 $0x11CC1, s1;
	[sflag:s15] =	ssyncadd.remote.s32 $0x1  }
0xc0: {  	s17 =	sor.u32 $0x11D01, s1;
	[sflag:s16] =	ssyncadd.remote.s32 $0x1  }
0xc1: {  	s18 =	sor.u32 $0x11D41, s1;
	[sflag:s17] =	ssyncadd.remote.s32 $0x1  }
0xc2: {  	s19 =	sor.u32 $0x11D81, s1;
	[sflag:s18] =	ssyncadd.remote.s32 $0x1  }
0xc3: {  	s20 =	sor.u32 $0x11DC1, s1;
	[sflag:s19] =	ssyncadd.remote.s32 $0x1  }
0xc4: {  	s21 =	sor.u32 $0x11E01, s1;
	[sflag:s20] =	ssyncadd.remote.s32 $0x1  }
0xc5: {  	s22 =	sor.u32 $0x11E41, s1;
	[sflag:s21] =	ssyncadd.remote.s32 $0x1  }
0xc6: {  	s23 =	sor.u32 $0x11E81, s1;
	[sflag:s22] =	ssyncadd.remote.s32 $0x1  }
0xc7: {  	s24 =	sor.u32 $0x11EC1, s1;
	[sflag:s23] =	ssyncadd.remote.s32 $0x1  }
0xc8: {  	s25 =	sor.u32 $0x11F01, s1;
	[sflag:s24] =	ssyncadd.remote.s32 $0x1  }
0xc9: {  	s26 =	sor.u32 $0x11F41, s1;
	[sflag:s25] =	ssyncadd.remote.s32 $0x1  }
0xca: {  	s28 =	sor.u32 $0x11F81, s1;
	[sflag:s26] =	ssyncadd.remote.s32 $0x1  }
0xcb: {  	s1 =	sor.u32 $0x11FC1, s1;
	[sflag:s28] =	ssyncadd.remote.s32 $0x1  }
0xcc: {  	[sflag:s1] =	ssyncadd.remote.s32 $0x1  }
0xcd: {  	_ =	strace $0x90000046  }
0xce: {  	s29 =	simm.s32 $0x9;
	_ =	strace $0x80000048  }
0xcf: {  	_ =	swait.ge [sflag:s29], $0x1  }
0xd0: {  	[sflag:s29] =	ssyncadd.s32 $0xFFFFFFFF  }
0xd1: {  	_ =	strace $0x90000048  }
0xd2: {  	_ =	sfence  }
0xd3: {  	s30 =	sld [smem:$0x0];
	_ =	sdelay $0x2  }
0xd4: {  	s31 =	sshll.u32 s11, $0xD  }
0xd5: {  	s2 =	sand.u32 $0x1, s11;
	s4 =	sand.u32 $0x4000, s31;
	s1 =	sadd.s32 s12, s30  }
0xd6: {  	s2 =	sor.u32 s4, s2;
	s1 =	sshll.u32 s1, $0x11  }
0xd7: {  	s1 =	sor.u32 s1, s2  }
0xd8: {  	s1 =	sadd.s32 $0x8F2B, s1  }
0xd9: {  	[sflag:s1] =	ssyncadd.remote.s32 $0x1  }
0xda: {  	_ =	sfence.sel $0xFFFF  }
0xdb: {  	[dreg:$0x0] =	wrdreg $0xFFFFFFFF;
	(pc) =	sbr.abs _section_cstart, $3  }
0xdc: {  	[dreg:$0x1] =	wrdreg $0xFFFFFFFF  }
0xdd: {  	_ =	task.clear_ibuf [dreg:s0], $0x2FFFF;
	_ =	strace $0x9FFFFFFF  }
0xde: {  	(tm) =	ssettm $0x7FFFFFFF  }
0xdf: {  	_ =	shalt  }
tec
execute0_lowered:
.L_overlay_start_1:
0x0: {  	(tag) =	ssettag $0x1  }
0x1: {  	s2 =	rddreg [dreg:$0x0]  }
0x2: {  	s3 =	rddreg [dreg:$0x1]  }
0x3: {  	s6 =	rddreg [dreg:$0x2]  }
0x4: {  	s0 =	rddreg [dreg:$0x3]  }
0x5: {  	s1 =	simm.s32 $0x0;
	s7 =	simm.s32 $0x1;
	s28 =	simm.s32 $0x80  }
0x6: {  	s29 =	simm.s32 $0x400;
	[smem:$0x7FF] =	sst s1;
	s1 =	stileid.u32  }
0x7: {  	s9 =	simm.s32 $0x800;
	_ =	strace $0x80000047;
	s4 =	sshrl.u32 s1, $0x3  }
0x8: {  	s5 =	sshll.u32 s1, $0x7;
	s8 =	sshll.u32 s4, $0xE;
	_ =	swait.ge [sflag:s7], $0x1  }
0x9: {  	s5 =	sand.u32 $0x380, s5;
	s6 =	sadd.s32 s8, s6;
	[sflag:s7] =	ssyncset.done $0x0  }
0xa: {  	s30 =	simm.s32 $0x2;
	s6 =	sadd.s32 s5, s6;
	[sflag:s7] =	ssyncadd.s32 $0xFFFFFFFF  }
0xb: {  	[tilespmem:s9], [sflag:$0x2] =	stream.strided.gather [spmem:s6], $0x800, s29, s28, $0x38;
	[tilespmem:$0x1480] =	vst v63  }
0xc: {  	_ =	swait.ge [sflag:s30], $0x800  }
0xd: {  	[sflag:s30] =	ssyncset.done $0x0  }
0xe: {  	s31 =	simm.s32 $0x840;
	[sflag:s30] =	ssyncadd.s32 $0xFFFFF800  }
0xf: {  	v2 =	vld [tilespmem:s31+$0xFFFFFFC0]  }
0x10: {  	v3 =	vld [tilespmem:s31+$0xFFFFFFD0]  }
0x11: {  	v4 =	vld [tilespmem:s31+$0xFFFFFFE0]  }
0x12: {  	v0 =	vld [tilespmem:s31+$0xFFFFFFF0]  }
0x13: {  	v5 =	vimm.s32 $0x0;
	v1 =	vld [tilespmem:s31+$0x0]  }
0x14: {  	v5 =	vadd.s32 v5, v2;
	v2 =	vld [tilespmem:s31+$0x10]  }
0x15: {  	v5 =	vadd.s32 v3, v5;
	v3 =	vld [tilespmem:s31+$0x20]  }
0x16: {  	s7 =	simm.s32 $0x8C0;
	s6 =	simm.s32 $0x0;
	v5 =	vadd.s32 v4, v5;
	v4 =	vld [tilespmem:s31+$0x30]  }
.LBB2_1:
0x17: {  	v6 =	vld [tilespmem:s7+$0xFFFFFFC0];
	s6 =	sadd.s32 $0x8, s6;
	v0 =	vadd.s32 v0, v5  }
0x18: {  	v5 =	vld [tilespmem:s7+$0xFFFFFFD0];
	p0 =	slt.u32 s6, $0x78;
	v0 =	vadd.s32 v1, v0  }
0x19: {  	v7 =	vld [tilespmem:s7+$0xFFFFFFE0];
	v1 =	vadd.s32 v2, v0  }
.Ltmp0:
0x1a: {  	v0 =	vld [tilespmem:s7+$0xFFFFFFF0];
	v2 =	vadd.s32 v3, v1;
	(pc) =	sbr.rel @p0 .LBB2_1-.Ltmp0, $4  }
0x1b: {  	v1 =	vld [tilespmem:s7+$0x0];
	v2 =	vadd.s32 v4, v2  }
0x1c: {  	v3 =	vadd.s32 v2, v6;
	v2 =	vld [tilespmem:s7+$0x10]  }
0x1d: {  	v4 =	vadd.s32 v5, v3;
	v3 =	vld [tilespmem:s7+$0x20]  }
0x1e: {  	v5 =	vadd.s32 v7, v4;
	v4 =	vld [tilespmem:s7+$0x30];
	s7 =	sadd.s32 $0x80, s7  }
0x1f: {  	v0 =	vadd.s32 v0, v5  }
0x20: {  	v0 =	vadd.s32 v1, v0  }
0x21: {  	v0 =	vadd.s32 v2, v0  }
0x22: {  	v0 =	vadd.s32 v3, v0  }
0x23: {  	v0 =	vadd.s32 v4, v0  }
0x24: {  	(v2sf) =	vpush v0, $0x0  }
0x25: {  	(v2sf) =	vpush v0, $0x1  }
0x26: {  	(v2sf) =	vpush v0, $0x2  }
0x27: {  	(v2sf) =	vpush v0, $0x3  }
0x28: {  	(v2sf) =	vpush v0, $0x4  }
0x29: {  	(v2sf) =	vpush v0, $0x5  }
0x2a: {  	(v2sf) =	vpush v0, $0x6  }
0x2b: {  	(v2sf) =	vpush v0, $0x7  }
0x2c: {  	(v2sf) =	vpush v0, $0x8  }
0x2d: {  	(v2sf) =	vpush v0, $0x9  }
0x2e: {  	(v2sf) =	vpush v0, $0xA  }
0x2f: {  	(v2sf) =	vpush v0, $0xB  }
0x30: {  	(v2sf) =	vpush v0, $0xC  }
0x31: {  	(v2sf) =	vpush v0, $0xD  }
0x32: {  	(v2sf) =	vpush v0, $0xE  }
0x33: {  	s6 =	spop (v2sf);
	(v2sf) =	vpush v0, $0xF  }
0x34: {  	s7 =	spop (v2sf)  }
0x35: {  	s8 =	spop (v2sf);
	s6 =	sadd.s32 s6, s7  }
0x36: {  	s17 =	spop (v2sf);
	s6 =	sadd.s32 s8, s6  }
0x37: {  	s18 =	spop (v2sf);
	s6 =	sadd.s32 s17, s6  }
0x38: {  	s19 =	spop (v2sf);
	s6 =	sadd.s32 s18, s6  }
0x39: {  	s20 =	spop (v2sf);
	s6 =	sadd.s32 s19, s6  }
0x3a: {  	s21 =	spop (v2sf);
	s6 =	sadd.s32 s20, s6  }
0x3b: {  	s22 =	spop (v2sf);
	s6 =	sadd.s32 s21, s6  }
0x3c: {  	s23 =	spop (v2sf);
	s6 =	sadd.s32 s22, s6  }
0x3d: {  	s24 =	spop (v2sf);
	s6 =	sadd.s32 s23, s6  }
0x3e: {  	s25 =	spop (v2sf);
	s6 =	sadd.s32 s24, s6  }
0x3f: {  	s26 =	spop (v2sf);
	s6 =	sadd.s32 s25, s6  }
0x40: {  	s28 =	spop (v2sf);
	s6 =	sadd.s32 s26, s6  }
0x41: {  	s29 =	spop (v2sf);
	s6 =	sadd.s32 s28, s6  }
0x42: {  	s30 =	spop (v2sf);
	s6 =	sadd.s32 s29, s6  }
0x43: {  	s6 =	sadd.s32 s30, s6  }
0x44: {  	s6 =	sadd.s32 $0xFFFFFFFF, s6  }
0x45: {  	p0 =	sgt.s32 s6, $0x0  }
0x46: {  	s6 =	simm.s32 @!p0 $0x0  }
0x47: {  	v63 =	vld [tilespmem:s6+$0x800];
	_ =	sdelay $0x4  }
0x48: {  	(v2sf) =	vpush v63, $0x0;
	_ =	sdelay $0xe  }
0x49: {  	s31 =	spop (v2sf)  }
0x4a: {  	p0 =	sne.s32 s31, $0x0  }
.Ltmp1:
0x4b: {  	_ = 	snop;
	(pc) =	sbr.rel @!p0 .LBB2_3-.Ltmp1, $4  }
0x4c: {  	s4 =	sshll.u32 s4, $0xD  }
0x4d: {  	s4 =	sor.u32 s5, s4  }
0x4e: {  	s4 =	sshrl.u32 s4, $0x3  }
0x4f: {  	s3 =	sadd.s32 s3, s4  }
0x50: {  	s4 =	sshll.u32 s6, $0xA  }
0x51: {  	s5 =	sshll.u32 s1, $0x15;
	s25 =	sshll.u32 s6, $0x7;
	s4 =	sand.u32 $0xFFFFE000, s4  }
0x52: {  	s26 =	sand.u32 $0x380, s25;
	s4 =	sadd.s32 s5, s4  }
0x53: {  	s28 =	simm.s32 $0x80;
	s4 =	sor.u32 s26, s4  }
0x54: {  	s29 =	simm.s32 $0x400;
	s30 =	simm.s32 $0x1080;
	s4 =	sshrl.u32 s4, $0x3  }
.Ltmp2:
0x55: {  	s31 =	simm.s32 $0x2;
	s2 =	sadd.s32 s2, s4;
	(pc) =	sbr.rel .LBB2_5-.Ltmp2, $4  }
0x56: {  	[tilespmem:s30], [sflag:$0x2] =	stream.strided.gather [hbm4b:s2+s28], $0x400, s29, s28, $0x38;
	[tilespmem:$0x1480] =	vst v63  }
0x57: {  	_ =	swait.ge [sflag:s31], $0x400  }
0x58: {  	[sflag:s31] =	ssyncset.done $0x0  }
0x59: {  	[sflag:s31] =	ssyncadd.s32 $0xFFFFFC00  }
.LBB2_3:
0x5a: {  	v0 =	vimm.f32 $0.0e+00  }
0x5b: {  	[tilespmem:$0x1080] =	vst v0  }
0x5c: {  	[tilespmem:$0x1090] =	vst v0  }
0x5d: {  	[tilespmem:$0x10A0] =	vst v0  }
0x5e: {  	[tilespmem:$0x10B0] =	vst v0  }
0x5f: {  	[tilespmem:$0x10C0] =	vst v0  }
0x60: {  	[tilespmem:$0x10D0] =	vst v0  }
0x61: {  	[tilespmem:$0x10E0] =	vst v0  }
0x62: {  	[tilespmem:$0x10F0] =	vst v0  }
0x63: {  	[tilespmem:$0x1100] =	vst v0  }
0x64: {  	[tilespmem:$0x1110] =	vst v0  }
0x65: {  	[tilespmem:$0x1120] =	vst v0  }
0x66: {  	[tilespmem:$0x1130] =	vst v0  }
0x67: {  	[tilespmem:$0x1140] =	vst v0  }
0x68: {  	[tilespmem:$0x1150] =	vst v0  }
0x69: {  	[tilespmem:$0x1160] =	vst v0  }
0x6a: {  	[tilespmem:$0x1170] =	vst v0  }
0x6b: {  	[tilespmem:$0x1180] =	vst v0  }
0x6c: {  	[tilespmem:$0x1190] =	vst v0  }
0x6d: {  	[tilespmem:$0x11A0] =	vst v0  }
0x6e: {  	[tilespmem:$0x11B0] =	vst v0  }
0x6f: {  	[tilespmem:$0x11C0] =	vst v0  }
0x70: {  	[tilespmem:$0x11D0] =	vst v0  }
0x71: {  	[tilespmem:$0x11E0] =	vst v0  }
0x72: {  	[tilespmem:$0x11F0] =	vst v0  }
0x73: {  	[tilespmem:$0x1200] =	vst v0  }
0x74: {  	[tilespmem:$0x1210] =	vst v0  }
0x75: {  	[tilespmem:$0x1220] =	vst v0  }
0x76: {  	[tilespmem:$0x1230] =	vst v0  }
0x77: {  	[tilespmem:$0x1240] =	vst v0  }
0x78: {  	[tilespmem:$0x1250] =	vst v0  }
0x79: {  	[tilespmem:$0x1260] =	vst v0  }
0x7a: {  	[tilespmem:$0x1270] =	vst v0  }
0x7b: {  	[tilespmem:$0x1280] =	vst v0  }
0x7c: {  	[tilespmem:$0x1290] =	vst v0  }
0x7d: {  	[tilespmem:$0x12A0] =	vst v0  }
0x7e: {  	[tilespmem:$0x12B0] =	vst v0  }
0x7f: {  	[tilespmem:$0x12C0] =	vst v0  }
0x80: {  	[tilespmem:$0x12D0] =	vst v0  }
0x81: {  	[tilespmem:$0x12E0] =	vst v0  }
0x82: {  	[tilespmem:$0x12F0] =	vst v0  }
0x83: {  	[tilespmem:$0x1300] =	vst v0  }
0x84: {  	[tilespmem:$0x1310] =	vst v0  }
0x85: {  	[tilespmem:$0x1320] =	vst v0  }
0x86: {  	[tilespmem:$0x1330] =	vst v0  }
0x87: {  	[tilespmem:$0x1340] =	vst v0  }
0x88: {  	[tilespmem:$0x1350] =	vst v0  }
0x89: {  	[tilespmem:$0x1360] =	vst v0  }
0x8a: {  	[tilespmem:$0x1370] =	vst v0  }
0x8b: {  	[tilespmem:$0x1380] =	vst v0  }
0x8c: {  	[tilespmem:$0x1390] =	vst v0  }
0x8d: {  	[tilespmem:$0x13A0] =	vst v0  }
0x8e: {  	[tilespmem:$0x13B0] =	vst v0  }
0x8f: {  	[tilespmem:$0x13C0] =	vst v0  }
0x90: {  	[tilespmem:$0x13D0] =	vst v0  }
0x91: {  	[tilespmem:$0x13E0] =	vst v0  }
0x92: {  	[tilespmem:$0x13F0] =	vst v0  }
0x93: {  	[tilespmem:$0x1400] =	vst v0  }
0x94: {  	[tilespmem:$0x1410] =	vst v0  }
0x95: {  	[tilespmem:$0x1420] =	vst v0  }
0x96: {  	[tilespmem:$0x1430] =	vst v0  }
0x97: {  	[tilespmem:$0x1440] =	vst v0  }
0x98: {  	[tilespmem:$0x1450] =	vst v0  }
0x99: {  	[tilespmem:$0x1460] =	vst v0  }
0x9a: {  	[tilespmem:$0x1470] =	vst v0  }
.LBB2_5:
0x9b: {  	s2 =	simm.s32 $0x80  }
0x9c: {  	s4 =	simm.s32 $0x400;
	s5 =	simm.s32 $0x1080;
	s31 =	simm.s32 $0x2  }
0x9d: {  	[hbm4b:s3+s2] =	stream.strided.scatter [tilespmem:s5], [sflag:$0x2], $0x400, s4, s2, $0x38;
	[tilespmem:$0x1480] =	vst v63  }
0x9e: {  	_ =	swait.ge [sflag:s31], $0x400  }
0x9f: {  	[sflag:s31] =	ssyncset.done $0x0  }
0xa0: {  	[sflag:s31] =	ssyncadd.s32 $0xFFFFFC00  }
0xa1: {  	_ =	sfence.sel $0x180000  }
0xa2: {  	[bflag:$0x0] =	sbarrier.arrive $0xFFFF  }
0xa3: {  	p0 =	sne.s32 s1, $0x0;
	_ =	strace $0x90000047  }
0xa4: {  	s0 =	sadd.s32 @!p0 $0x100000, s0;
	[bflag:$0x2] =	sbarrier.arrive $0xFFFF  }
0xa5: {  	[sflag:s0] =	ssyncadd.tile.s32 @!p0 $0x1;
	_ =	shalt  }
.Lfunc_end2:
_tile_overlayer_lowered:
.L_overlay_start_2:
0xa6: {  	(tag) =	ssettag $0x2  }
0xa7: {  	s0 =	rddreg [dreg:$0x0];
	s2 =	stileid.u32  }
0xa8: {  	s1 =	rddreg [dreg:$0x1];
	p0 =	sne.s32 s2, $0x0  }
0xa9: {  	s3 =	rddreg [dreg:$0x2];
	[bflag:$0x3] =	sbarrier.arrive $0xFFFF;
	s2 =	simm.s32 @!p0 $0x1C02  }
0xaa: {  	[timem:s3], [sflag:s2] =	dma.local @!p0 [hbm:s0], s1  }
0xab: {  	s0 =	simm.s32 @!p0 $0x2  }
0xac: {  	_ =	swait.ge @!p0 [sflag:s0], s1  }
0xad: {  	s1 =	ssub.s32 @!p0 $0x0, s1;
	[sflag:s0] =	ssyncset.done @!p0 $0x0  }
0xae: {  	[sflag:s0] =	ssyncadd.s32 @!p0 s1  }
0xaf: {  	[bflag:$0x3] =	sbarrier.arrive $0xFFFF  }
0xb0: {  	_ =	shalt  }

</sc_bundles>
